<compile_context>
chip_gen: v7x
topology: tpu7x:2x2x1
jax: 0.10.2.dev20260603
libtpu: 0.0.44.dev20260713+nightly
codegen_flags: <defaults>
</compile_context>

<pallas_src>
import functools

import jax
import jax.numpy as jnp
from jax import lax
from jax.experimental import pallas as pl
from jax.experimental.pallas import tpu as pltpu
from jax.experimental.pallas import tpu_sc as plsc


def kernel(input, indices):
    B, C, H, W = input.shape
    SPLIT = 8
    D = (H * W) // SPLIT
    ROWS = B * C * SPLIT

    info = plsc.get_sparse_core_info()
    NC, NS = info.num_cores, info.num_subcores
    NW = NC * NS
    per_w = ROWS // NW
    K = 8
    chunks = per_w // K
    npairs = chunks // 2

    q = jnp.arange(ROWS, dtype=jnp.int32)
    coarse, sub = q // SPLIT, q % SPLIT
    b, c = coarse // C, coarse % C
    gidx = (b * C + indices[c]) * SPLIT + sub

    x2d = input.reshape(ROWS, D)
    mesh = plsc.VectorSubcoreMesh(core_axis_name="c", subcore_axis_name="s")

    @functools.partial(
        pl.kernel,
        out_type=jax.ShapeDtypeStruct((ROWS, D), jnp.float32),
        mesh=mesh,
        scratch_types=[
            pltpu.VMEM((per_w,), jnp.int32),
            pltpu.VMEM_SHARED((NS, 2, K, D), jnp.float32),
            pltpu.SemaphoreType.DMA,
            pltpu.SemaphoreType.DMA,
            pltpu.SemaphoreType.DMA,
            pltpu.SemaphoreType.DMA,
        ],
    )
    def run(in_hbm, gidx_hbm, out_hbm, idx_v, stage, g0, g1, s0, s1):
        sid = lax.axis_index("s")
        wid = sid * NC + lax.axis_index("c")
        base = wid * per_w
        pltpu.sync_copy(gidx_hbm.at[pl.ds(base, per_w)], idx_v)
        rows0 = stage.at[sid, 0]
        rows1 = stage.at[sid, 1]

        def gather(t, rows, sem):
            pltpu.make_async_copy(
                in_hbm.at[pl.ds(base + t * K, K)], rows, sem
            ).start()

        def gwait(rows, sem):
            pltpu.make_async_copy(in_hbm.at[pl.ds(0, K)], rows, sem).wait()

        def scatter(t, rows, sem):
            pltpu.make_async_copy(
                rows, out_hbm.at[pl.ds(base + t * K, K)], sem
            ).start()

        def swait(rows, sem):
            pltpu.make_async_copy(rows, out_hbm.at[pl.ds(base, K)], sem).wait()

        gather(0, rows0, g0)
        gather(1, rows1, g1)

        def pair(p, carry):
            t0 = 2 * p
            gwait(rows0, g0)
            scatter(t0, rows0, s0)
            gwait(rows1, g1)
            scatter(t0 + 1, rows1, s1)
            swait(rows0, s0)
            gather(t0 + 2, rows0, g0)
            swait(rows1, s1)
            gather(t0 + 3, rows1, g1)
            return carry

        lax.fori_loop(0, npairs - 1, pair, 0)

        t0 = 2 * (npairs - 1)
        gwait(rows0, g0)
        scatter(t0, rows0, s0)
        gwait(rows1, g1)
        scatter(t0 + 1, rows1, s1)
        swait(rows0, s0)
        swait(rows1, s1)

    out2d = run(x2d, gidx)
    return out2d.reshape(B, C, H, W)

# --- scband reference (transcript-rebuilt; emitter-appended) ---
"""Pipeline reference for scband-permute2d-42417097016217 (READ-ONLY COPY).

The authoritative reference and input builder live on the scoring server;
editing this copy changes nothing except your own understanding.
"""

import jax, jax.numpy as jnp
import numpy as np

NUM_CHANNELS = 96


def setup_inputs(seed: int = 0) -> dict:
    key = jax.random.key(seed)
    x = jax.random.normal(key, (8, NUM_CHANNELS, 224, 224), dtype=jnp.float32)
    # Permute2d with shuffle=False: indices = arange(C-1, -1, -1) (channel reversal)
    indices = jnp.arange(NUM_CHANNELS - 1, -1, -1, dtype=jnp.int32)
    return {"input": x, "indices": indices}


def reference(input, indices):
    # forward(input, reverse=False): input[:, indices, :, :]
    assert input.ndim == 4
    return jnp.take(input, indices, axis=1)

if __name__ == "__main__":
    import jax
    _d = setup_inputs()
    print(jax.jit(kernel)(*tuple(_d.values())))

</pallas_src>

<mosaic_0001>
#map = affine_map<(d0, d1) -> (0, 0)>
#map1 = affine_map<(d0, d1) -> (0)>
module attributes {stable_mosaic.version = 14 : i64} {
  func.func @run(%arg0: i32, %arg1: i32, %arg2: memref<6144x6272xf32, #tpu.memory_space<hbm>>, %arg3: memref<6144xi32, #tpu.memory_space<hbm>>, %arg4: memref<6144x6272xf32, #tpu.memory_space<hbm>>, %arg5: memref<192xi32, #tpu.memory_space<vmem>>, %arg6: memref<16x2x8x6272xf32, #tpu.memory_space<vmem_shared>>, %arg7: memref<!tpu.dma_semaphore, #tpu.memory_space<semaphore_mem>>, %arg8: memref<!tpu.dma_semaphore, #tpu.memory_space<semaphore_mem>>, %arg9: memref<!tpu.dma_semaphore, #tpu.memory_space<semaphore_mem>>, %arg10: memref<!tpu.dma_semaphore, #tpu.memory_space<semaphore_mem>>) attributes {dimension_semantics = [#tpu.dimension_semantics<core_parallel>, #tpu.dimension_semantics<subcore_parallel>], iteration_bounds = array<i64: 2, 16>, scalar_prefetch = 0 : i64, scratch_operands = 6 : i64, tpu.core_type = #tpu.core_type<sc_vector_subcore>, window_params = [{transform_indices = #map}, {transform_indices = #map1}, {transform_indices = #map}]} {
    %mul3A = arith.constant 2 : i32
    %mul3A_0 = arith.muli %arg1, %mul3A : i32
    %add3A = arith.addi %mul3A_0, %arg0 : i32
    %mul3A_1 = arith.constant 192 : i32
    %mul3A_2 = arith.muli %add3A, %mul3A_1 : i32
    "tpu.region"() ({
      %run_scoped3A = tpu.sem_alloc : memref<!tpu.dma_semaphore, #tpu.memory_space<semaphore_mem>>
      %dma_start3A_74 = tpu.memref_slice %arg3[%mul3A_2] : memref<6144xi32, #tpu.memory_space<hbm>> -> memref<192xi32, #tpu.memory_space<hbm>>
      %dma_start3A_75 = tpu.memref_slice %arg3[%mul3A_2] : memref<6144xi32, #tpu.memory_space<hbm>> -> memref<192xi32, #tpu.memory_space<hbm>>
      tpu.enqueue_dma source(%dma_start3A_75 : memref<192xi32, #tpu.memory_space<hbm>>) target(%arg5 : memref<192xi32, #tpu.memory_space<vmem>>) target_semaphore(%run_scoped3A : memref<!tpu.dma_semaphore, #tpu.memory_space<semaphore_mem>>)
      %dma_wait3A_76 = tpu.memref_slice %arg3[%mul3A_2] : memref<6144xi32, #tpu.memory_space<hbm>> -> memref<192xi32, #tpu.memory_space<hbm>>
      %dma_wait3A_77 = tpu.memref_slice %arg3[%mul3A_2] : memref<6144xi32, #tpu.memory_space<hbm>> -> memref<192xi32, #tpu.memory_space<hbm>>
      tpu.wait_dma2 semaphore(%run_scoped3A : memref<!tpu.dma_semaphore, #tpu.memory_space<semaphore_mem>>) src(%dma_wait3A_77 : memref<192xi32, #tpu.memory_space<hbm>>) dst(%arg5 : memref<192xi32, #tpu.memory_space<vmem>>)
      tpu.yield
    }) : () -> ()
    %add3A_3 = arith.constant 0 : i32
    %add3A_4 = arith.addi %mul3A_2, %add3A_3 : i32
    %dma_start3A = arith.constant 0 : i32
    %dma_start3A_5 = arith.constant 0 : i32
    %dma_start3A_6 = arith.constant 0 : i32
    %dma_start3A_7 = tpu.memref_slice %arg6[%arg1, %dma_start3A, %dma_start3A_5, %dma_start3A_6] : memref<16x2x8x6272xf32, #tpu.memory_space<vmem_shared>> -> memref<1x1x8x6272xf32, #tpu.memory_space<vmem_shared>>
    %dma_start3A_8 = tpu.memref_squeeze %dma_start3A_7 : memref<1x1x8x6272xf32, #tpu.memory_space<vmem_shared>> -> memref<8x6272xf32, #tpu.memory_space<vmem_shared>>
    %dma_start3A_9 = arith.constant 0 : i32
    %dma_start3A_10 = tpu.memref_slice %arg2[%add3A_4, %dma_start3A_9] : memref<6144x6272xf32, #tpu.memory_space<hbm>> -> memref<8x6272xf32, #tpu.memory_space<hbm>>
    tpu.enqueue_dma source(%dma_start3A_10 : memref<8x6272xf32, #tpu.memory_space<hbm>>) target(%dma_start3A_8 : memref<8x6272xf32, #tpu.memory_space<vmem_shared>>) target_semaphore(%arg7 : memref<!tpu.dma_semaphore, #tpu.memory_space<semaphore_mem>>)
    %add3A_11 = arith.constant 8 : i32
    %add3A_12 = arith.addi %mul3A_2, %add3A_11 : i32
    %dma_start3A_13 = arith.constant 1 : i32
    %dma_start3A_14 = arith.constant 0 : i32
    %dma_start3A_15 = arith.constant 0 : i32
    %dma_start3A_16 = tpu.memref_slice %arg6[%arg1, %dma_start3A_13, %dma_start3A_14, %dma_start3A_15] : memref<16x2x8x6272xf32, #tpu.memory_space<vmem_shared>> -> memref<1x1x8x6272xf32, #tpu.memory_space<vmem_shared>>
    %dma_start3A_17 = tpu.memref_squeeze %dma_start3A_16 : memref<1x1x8x6272xf32, #tpu.memory_space<vmem_shared>> -> memref<8x6272xf32, #tpu.memory_space<vmem_shared>>
    %dma_start3A_18 = arith.constant 0 : i32
    %dma_start3A_19 = tpu.memref_slice %arg2[%add3A_12, %dma_start3A_18] : memref<6144x6272xf32, #tpu.memory_space<hbm>> -> memref<8x6272xf32, #tpu.memory_space<hbm>>
    tpu.enqueue_dma source(%dma_start3A_19 : memref<8x6272xf32, #tpu.memory_space<hbm>>) target(%dma_start3A_17 : memref<8x6272xf32, #tpu.memory_space<vmem_shared>>) target_semaphore(%arg8 : memref<!tpu.dma_semaphore, #tpu.memory_space<semaphore_mem>>)
    %scan3A = arith.constant 0 : i32
    %scan3A_20 = arith.constant 0 : i32
    %scan3A_21 = arith.constant 1 : i32
    %scan3A_22 = arith.constant 0 : i32
    %scan3A_23 = arith.constant 11 : i32
    %scan3A_24 = arith.addi %scan3A_22, %scan3A_23 : i32
    %scan3A_25 = arith.constant 1 : i32
    scf.for %scan3A_74 = %scan3A_22 to %scan3A_24 step %scan3A_25  : i32 {
      %mul3A_75 = arith.constant 2 : i32
      %mul3A_76 = arith.muli %mul3A_75, %scan3A_74 : i32
      %dma_wait3A_77 = arith.constant 0 : i32
      %dma_wait3A_78 = arith.constant 0 : i32
      %dma_wait3A_79 = tpu.memref_slice %arg6[%arg1, %scan3A_20, %dma_wait3A_77, %dma_wait3A_78] : memref<16x2x8x6272xf32, #tpu.memory_space<vmem_shared>> -> memref<1x1x8x6272xf32, #tpu.memory_space<vmem_shared>>
      %dma_wait3A_80 = tpu.memref_squeeze %dma_wait3A_79 : memref<1x1x8x6272xf32, #tpu.memory_space<vmem_shared>> -> memref<8x6272xf32, #tpu.memory_space<vmem_shared>>
      %dma_wait3A_81 = arith.constant 0 : i32
      %dma_wait3A_82 = arith.constant 0 : i32
      %dma_wait3A_83 = tpu.memref_slice %arg2[%dma_wait3A_81, %dma_wait3A_82] : memref<6144x6272xf32, #tpu.memory_space<hbm>> -> memref<8x6272xf32, #tpu.memory_space<hbm>>
      tpu.wait_dma2 semaphore(%arg7 : memref<!tpu.dma_semaphore, #tpu.memory_space<semaphore_mem>>) src(%dma_wait3A_83 : memref<8x6272xf32, #tpu.memory_space<hbm>>) dst(%dma_wait3A_80 : memref<8x6272xf32, #tpu.memory_space<vmem_shared>>)
      %mul3A_84 = arith.constant 8 : i32
      %mul3A_85 = arith.muli %mul3A_76, %mul3A_84 : i32
      %add3A_86 = arith.addi %mul3A_2, %mul3A_85 : i32
      %dma_start3A_87 = arith.constant 0 : i32
      %dma_start3A_88 = tpu.memref_slice %arg4[%add3A_86, %dma_start3A_87] : memref<6144x6272xf32, #tpu.memory_space<hbm>> -> memref<8x6272xf32, #tpu.memory_space<hbm>>
      %dma_start3A_89 = arith.constant 0 : i32
      %dma_start3A_90 = arith.constant 0 : i32
      %dma_start3A_91 = tpu.memref_slice %arg6[%arg1, %scan3A_20, %dma_start3A_89, %dma_start3A_90] : memref<16x2x8x6272xf32, #tpu.memory_space<vmem_shared>> -> memref<1x1x8x6272xf32, #tpu.memory_space<vmem_shared>>
      %dma_start3A_92 = tpu.memref_squeeze %dma_start3A_91 : memref<1x1x8x6272xf32, #tpu.memory_space<vmem_shared>> -> memref<8x6272xf32, #tpu.memory_space<vmem_shared>>
      tpu.enqueue_dma source(%dma_start3A_92 : memref<8x6272xf32, #tpu.memory_space<vmem_shared>>) target(%dma_start3A_88 : memref<8x6272xf32, #tpu.memory_space<hbm>>) target_semaphore(%arg9 : memref<!tpu.dma_semaphore, #tpu.memory_space<semaphore_mem>>)
      %dma_wait3A_93 = arith.constant 0 : i32
      %dma_wait3A_94 = arith.constant 0 : i32
      %dma_wait3A_95 = tpu.memref_slice %arg6[%arg1, %scan3A_21, %dma_wait3A_93, %dma_wait3A_94] : memref<16x2x8x6272xf32, #tpu.memory_space<vmem_shared>> -> memref<1x1x8x6272xf32, #tpu.memory_space<vmem_shared>>
      %dma_wait3A_96 = tpu.memref_squeeze %dma_wait3A_95 : memref<1x1x8x6272xf32, #tpu.memory_space<vmem_shared>> -> memref<8x6272xf32, #tpu.memory_space<vmem_shared>>
      %dma_wait3A_97 = arith.constant 0 : i32
      %dma_wait3A_98 = arith.constant 0 : i32
      %dma_wait3A_99 = tpu.memref_slice %arg2[%dma_wait3A_97, %dma_wait3A_98] : memref<6144x6272xf32, #tpu.memory_space<hbm>> -> memref<8x6272xf32, #tpu.memory_space<hbm>>
      tpu.wait_dma2 semaphore(%arg8 : memref<!tpu.dma_semaphore, #tpu.memory_space<semaphore_mem>>) src(%dma_wait3A_99 : memref<8x6272xf32, #tpu.memory_space<hbm>>) dst(%dma_wait3A_96 : memref<8x6272xf32, #tpu.memory_space<vmem_shared>>)
      %add3A_100 = arith.constant 1 : i32
      %add3A_101 = arith.addi %mul3A_76, %add3A_100 : i32
      %mul3A_102 = arith.constant 8 : i32
      %mul3A_103 = arith.muli %add3A_101, %mul3A_102 : i32
      %add3A_104 = arith.addi %mul3A_2, %mul3A_103 : i32
      %dma_start3A_105 = arith.constant 0 : i32
      %dma_start3A_106 = tpu.memref_slice %arg4[%add3A_104, %dma_start3A_105] : memref<6144x6272xf32, #tpu.memory_space<hbm>> -> memref<8x6272xf32, #tpu.memory_space<hbm>>
      %dma_start3A_107 = arith.constant 0 : i32
      %dma_start3A_108 = arith.constant 0 : i32
      %dma_start3A_109 = tpu.memref_slice %arg6[%arg1, %scan3A_21, %dma_start3A_107, %dma_start3A_108] : memref<16x2x8x6272xf32, #tpu.memory_space<vmem_shared>> -> memref<1x1x8x6272xf32, #tpu.memory_space<vmem_shared>>
      %dma_start3A_110 = tpu.memref_squeeze %dma_start3A_109 : memref<1x1x8x6272xf32, #tpu.memory_space<vmem_shared>> -> memref<8x6272xf32, #tpu.memory_space<vmem_shared>>
      tpu.enqueue_dma source(%dma_start3A_110 : memref<8x6272xf32, #tpu.memory_space<vmem_shared>>) target(%dma_start3A_106 : memref<8x6272xf32, #tpu.memory_space<hbm>>) target_semaphore(%arg10 : memref<!tpu.dma_semaphore, #tpu.memory_space<semaphore_mem>>)
      %dma_wait3A_111 = arith.constant 0 : i32
      %dma_wait3A_112 = tpu.memref_slice %arg4[%mul3A_2, %dma_wait3A_111] : memref<6144x6272xf32, #tpu.memory_space<hbm>> -> memref<8x6272xf32, #tpu.memory_space<hbm>>
      %dma_wait3A_113 = arith.constant 0 : i32
      %dma_wait3A_114 = arith.constant 0 : i32
      %dma_wait3A_115 = tpu.memref_slice %arg6[%arg1, %scan3A_20, %dma_wait3A_113, %dma_wait3A_114] : memref<16x2x8x6272xf32, #tpu.memory_space<vmem_shared>> -> memref<1x1x8x6272xf32, #tpu.memory_space<vmem_shared>>
      %dma_wait3A_116 = tpu.memref_squeeze %dma_wait3A_115 : memref<1x1x8x6272xf32, #tpu.memory_space<vmem_shared>> -> memref<8x6272xf32, #tpu.memory_space<vmem_shared>>
      tpu.wait_dma2 semaphore(%arg9 : memref<!tpu.dma_semaphore, #tpu.memory_space<semaphore_mem>>) src(%dma_wait3A_116 : memref<8x6272xf32, #tpu.memory_space<vmem_shared>>) dst(%dma_wait3A_112 : memref<8x6272xf32, #tpu.memory_space<hbm>>)
      %add3A_117 = arith.constant 2 : i32
      %add3A_118 = arith.addi %mul3A_76, %add3A_117 : i32
      %mul3A_119 = arith.constant 8 : i32
      %mul3A_120 = arith.muli %add3A_118, %mul3A_119 : i32
      %add3A_121 = arith.addi %mul3A_2, %mul3A_120 : i32
      %dma_start3A_122 = arith.constant 0 : i32
      %dma_start3A_123 = arith.constant 0 : i32
      %dma_start3A_124 = tpu.memref_slice %arg6[%arg1, %scan3A_20, %dma_start3A_122, %dma_start3A_123] : memref<16x2x8x6272xf32, #tpu.memory_space<vmem_shared>> -> memref<1x1x8x6272xf32, #tpu.memory_space<vmem_shared>>
      %dma_start3A_125 = tpu.memref_squeeze %dma_start3A_124 : memref<1x1x8x6272xf32, #tpu.memory_space<vmem_shared>> -> memref<8x6272xf32, #tpu.memory_space<vmem_shared>>
      %dma_start3A_126 = arith.constant 0 : i32
      %dma_start3A_127 = tpu.memref_slice %arg2[%add3A_121, %dma_start3A_126] : memref<6144x6272xf32, #tpu.memory_space<hbm>> -> memref<8x6272xf32, #tpu.memory_space<hbm>>
      tpu.enqueue_dma source(%dma_start3A_127 : memref<8x6272xf32, #tpu.memory_space<hbm>>) target(%dma_start3A_125 : memref<8x6272xf32, #tpu.memory_space<vmem_shared>>) target_semaphore(%arg7 : memref<!tpu.dma_semaphore, #tpu.memory_space<semaphore_mem>>)
      %dma_wait3A_128 = arith.constant 0 : i32
      %dma_wait3A_129 = tpu.memref_slice %arg4[%mul3A_2, %dma_wait3A_128] : memref<6144x6272xf32, #tpu.memory_space<hbm>> -> memref<8x6272xf32, #tpu.memory_space<hbm>>
      %dma_wait3A_130 = arith.constant 0 : i32
      %dma_wait3A_131 = arith.constant 0 : i32
      %dma_wait3A_132 = tpu.memref_slice %arg6[%arg1, %scan3A_21, %dma_wait3A_130, %dma_wait3A_131] : memref<16x2x8x6272xf32, #tpu.memory_space<vmem_shared>> -> memref<1x1x8x6272xf32, #tpu.memory_space<vmem_shared>>
      %dma_wait3A_133 = tpu.memref_squeeze %dma_wait3A_132 : memref<1x1x8x6272xf32, #tpu.memory_space<vmem_shared>> -> memref<8x6272xf32, #tpu.memory_space<vmem_shared>>
      tpu.wait_dma2 semaphore(%arg10 : memref<!tpu.dma_semaphore, #tpu.memory_space<semaphore_mem>>) src(%dma_wait3A_133 : memref<8x6272xf32, #tpu.memory_space<vmem_shared>>) dst(%dma_wait3A_129 : memref<8x6272xf32, #tpu.memory_space<hbm>>)
      %add3A_134 = arith.constant 3 : i32
      %add3A_135 = arith.addi %mul3A_76, %add3A_134 : i32
      %mul3A_136 = arith.constant 8 : i32
      %mul3A_137 = arith.muli %add3A_135, %mul3A_136 : i32
      %add3A_138 = arith.addi %mul3A_2, %mul3A_137 : i32
      %dma_start3A_139 = arith.constant 0 : i32
      %dma_start3A_140 = arith.constant 0 : i32
      %dma_start3A_141 = tpu.memref_slice %arg6[%arg1, %scan3A_21, %dma_start3A_139, %dma_start3A_140] : memref<16x2x8x6272xf32, #tpu.memory_space<vmem_shared>> -> memref<1x1x8x6272xf32, #tpu.memory_space<vmem_shared>>
      %dma_start3A_142 = tpu.memref_squeeze %dma_start3A_141 : memref<1x1x8x6272xf32, #tpu.memory_space<vmem_shared>> -> memref<8x6272xf32, #tpu.memory_space<vmem_shared>>
      %dma_start3A_143 = arith.constant 0 : i32
      %dma_start3A_144 = tpu.memref_slice %arg2[%add3A_138, %dma_start3A_143] : memref<6144x6272xf32, #tpu.memory_space<hbm>> -> memref<8x6272xf32, #tpu.memory_space<hbm>>
      tpu.enqueue_dma source(%dma_start3A_144 : memref<8x6272xf32, #tpu.memory_space<hbm>>) target(%dma_start3A_142 : memref<8x6272xf32, #tpu.memory_space<vmem_shared>>) target_semaphore(%arg8 : memref<!tpu.dma_semaphore, #tpu.memory_space<semaphore_mem>>)
    }
    %scan3A_26 = arith.constant 11 : i32
    %dma_wait3A = arith.constant 0 : i32
    %dma_wait3A_27 = arith.constant 0 : i32
    %dma_wait3A_28 = arith.constant 0 : i32
    %dma_wait3A_29 = tpu.memref_slice %arg6[%arg1, %dma_wait3A, %dma_wait3A_27, %dma_wait3A_28] : memref<16x2x8x6272xf32, #tpu.memory_space<vmem_shared>> -> memref<1x1x8x6272xf32, #tpu.memory_space<vmem_shared>>
    %dma_wait3A_30 = tpu.memref_squeeze %dma_wait3A_29 : memref<1x1x8x6272xf32, #tpu.memory_space<vmem_shared>> -> memref<8x6272xf32, #tpu.memory_space<vmem_shared>>
    %dma_wait3A_31 = arith.constant 0 : i32
    %dma_wait3A_32 = arith.constant 0 : i32
    %dma_wait3A_33 = tpu.memref_slice %arg2[%dma_wait3A_31, %dma_wait3A_32] : memref<6144x6272xf32, #tpu.memory_space<hbm>> -> memref<8x6272xf32, #tpu.memory_space<hbm>>
    tpu.wait_dma2 semaphore(%arg7 : memref<!tpu.dma_semaphore, #tpu.memory_space<semaphore_mem>>) src(%dma_wait3A_33 : memref<8x6272xf32, #tpu.memory_space<hbm>>) dst(%dma_wait3A_30 : memref<8x6272xf32, #tpu.memory_space<vmem_shared>>)
    %add3A_34 = arith.constant 176 : i32
    %add3A_35 = arith.addi %mul3A_2, %add3A_34 : i32
    %dma_start3A_36 = arith.constant 0 : i32
    %dma_start3A_37 = arith.constant 0 : i32
    %dma_start3A_38 = tpu.memref_slice %arg4[%add3A_35, %dma_start3A_37] : memref<6144x6272xf32, #tpu.memory_space<hbm>> -> memref<8x6272xf32, #tpu.memory_space<hbm>>
    %dma_start3A_39 = arith.constant 0 : i32
    %dma_start3A_40 = arith.constant 0 : i32
    %dma_start3A_41 = tpu.memref_slice %arg6[%arg1, %dma_start3A_36, %dma_start3A_39, %dma_start3A_40] : memref<16x2x8x6272xf32, #tpu.memory_space<vmem_shared>> -> memref<1x1x8x6272xf32, #tpu.memory_space<vmem_shared>>
    %dma_start3A_42 = tpu.memref_squeeze %dma_start3A_41 : memref<1x1x8x6272xf32, #tpu.memory_space<vmem_shared>> -> memref<8x6272xf32, #tpu.memory_space<vmem_shared>>
    tpu.enqueue_dma source(%dma_start3A_42 : memref<8x6272xf32, #tpu.memory_space<vmem_shared>>) target(%dma_start3A_38 : memref<8x6272xf32, #tpu.memory_space<hbm>>) target_semaphore(%arg9 : memref<!tpu.dma_semaphore, #tpu.memory_space<semaphore_mem>>)
    %dma_wait3A_43 = arith.constant 1 : i32
    %dma_wait3A_44 = arith.constant 0 : i32
    %dma_wait3A_45 = arith.constant 0 : i32
    %dma_wait3A_46 = tpu.memref_slice %arg6[%arg1, %dma_wait3A_43, %dma_wait3A_44, %dma_wait3A_45] : memref<16x2x8x6272xf32, #tpu.memory_space<vmem_shared>> -> memref<1x1x8x6272xf32, #tpu.memory_space<vmem_shared>>
    %dma_wait3A_47 = tpu.memref_squeeze %dma_wait3A_46 : memref<1x1x8x6272xf32, #tpu.memory_space<vmem_shared>> -> memref<8x6272xf32, #tpu.memory_space<vmem_shared>>
    %dma_wait3A_48 = arith.constant 0 : i32
    %dma_wait3A_49 = arith.constant 0 : i32
    %dma_wait3A_50 = tpu.memref_slice %arg2[%dma_wait3A_48, %dma_wait3A_49] : memref<6144x6272xf32, #tpu.memory_space<hbm>> -> memref<8x6272xf32, #tpu.memory_space<hbm>>
    tpu.wait_dma2 semaphore(%arg8 : memref<!tpu.dma_semaphore, #tpu.memory_space<semaphore_mem>>) src(%dma_wait3A_50 : memref<8x6272xf32, #tpu.memory_space<hbm>>) dst(%dma_wait3A_47 : memref<8x6272xf32, #tpu.memory_space<vmem_shared>>)
    %add3A_51 = arith.constant 184 : i32
    %add3A_52 = arith.addi %mul3A_2, %add3A_51 : i32
    %dma_start3A_53 = arith.constant 1 : i32
    %dma_start3A_54 = arith.constant 0 : i32
    %dma_start3A_55 = tpu.memref_slice %arg4[%add3A_52, %dma_start3A_54] : memref<6144x6272xf32, #tpu.memory_space<hbm>> -> memref<8x6272xf32, #tpu.memory_space<hbm>>
    %dma_start3A_56 = arith.constant 0 : i32
    %dma_start3A_57 = arith.constant 0 : i32
    %dma_start3A_58 = tpu.memref_slice %arg6[%arg1, %dma_start3A_53, %dma_start3A_56, %dma_start3A_57] : memref<16x2x8x6272xf32, #tpu.memory_space<vmem_shared>> -> memref<1x1x8x6272xf32, #tpu.memory_space<vmem_shared>>
    %dma_start3A_59 = tpu.memref_squeeze %dma_start3A_58 : memref<1x1x8x6272xf32, #tpu.memory_space<vmem_shared>> -> memref<8x6272xf32, #tpu.memory_space<vmem_shared>>
    tpu.enqueue_dma source(%dma_start3A_59 : memref<8x6272xf32, #tpu.memory_space<vmem_shared>>) target(%dma_start3A_55 : memref<8x6272xf32, #tpu.memory_space<hbm>>) target_semaphore(%arg10 : memref<!tpu.dma_semaphore, #tpu.memory_space<semaphore_mem>>)
    %dma_wait3A_60 = arith.constant 0 : i32
    %dma_wait3A_61 = arith.constant 0 : i32
    %dma_wait3A_62 = tpu.memref_slice %arg4[%mul3A_2, %dma_wait3A_61] : memref<6144x6272xf32, #tpu.memory_space<hbm>> -> memref<8x6272xf32, #tpu.memory_space<hbm>>
    %dma_wait3A_63 = arith.constant 0 : i32
    %dma_wait3A_64 = arith.constant 0 : i32
    %dma_wait3A_65 = tpu.memref_slice %arg6[%arg1, %dma_wait3A_60, %dma_wait3A_63, %dma_wait3A_64] : memref<16x2x8x6272xf32, #tpu.memory_space<vmem_shared>> -> memref<1x1x8x6272xf32, #tpu.memory_space<vmem_shared>>
    %dma_wait3A_66 = tpu.memref_squeeze %dma_wait3A_65 : memref<1x1x8x6272xf32, #tpu.memory_space<vmem_shared>> -> memref<8x6272xf32, #tpu.memory_space<vmem_shared>>
    tpu.wait_dma2 semaphore(%arg9 : memref<!tpu.dma_semaphore, #tpu.memory_space<semaphore_mem>>) src(%dma_wait3A_66 : memref<8x6272xf32, #tpu.memory_space<vmem_shared>>) dst(%dma_wait3A_62 : memref<8x6272xf32, #tpu.memory_space<hbm>>)
    %dma_wait3A_67 = arith.constant 1 : i32
    %dma_wait3A_68 = arith.constant 0 : i32
    %dma_wait3A_69 = tpu.memref_slice %arg4[%mul3A_2, %dma_wait3A_68] : memref<6144x6272xf32, #tpu.memory_space<hbm>> -> memref<8x6272xf32, #tpu.memory_space<hbm>>
    %dma_wait3A_70 = arith.constant 0 : i32
    %dma_wait3A_71 = arith.constant 0 : i32
    %dma_wait3A_72 = tpu.memref_slice %arg6[%arg1, %dma_wait3A_67, %dma_wait3A_70, %dma_wait3A_71] : memref<16x2x8x6272xf32, #tpu.memory_space<vmem_shared>> -> memref<1x1x8x6272xf32, #tpu.memory_space<vmem_shared>>
    %dma_wait3A_73 = tpu.memref_squeeze %dma_wait3A_72 : memref<1x1x8x6272xf32, #tpu.memory_space<vmem_shared>> -> memref<8x6272xf32, #tpu.memory_space<vmem_shared>>
    tpu.wait_dma2 semaphore(%arg10 : memref<!tpu.dma_semaphore, #tpu.memory_space<semaphore_mem>>) src(%dma_wait3A_73 : memref<8x6272xf32, #tpu.memory_space<vmem_shared>>) dst(%dma_wait3A_69 : memref<8x6272xf32, #tpu.memory_space<hbm>>)
    return
  }
}

</mosaic_0001>

<sc_bundles>
// kernel: kernel.3.cloned.1.call-start
scs
__scs_entry_jumppad:
0x0: {  	(pc) =	sbr.rel $0x88, $3  }
0x1: {  	(tag) =	ssettag $0x0;
	lr =	simm.s32 $0x1  }
0x2: {  	[smem:$0x3F9F] =	sst lr;
	_ =	strace $0xD0000000  }
0x3: {  	_ = 	snop  }
0x4: {  	_ = 	snop  }
0x5: {  	_ = 	snop  }
0x6: {  	_ = 	snop  }
0x7: {  	_ = 	snop  }
__scs_overlays_trampoline_lowered:
0x8: {  	[smem:$0x3FAE] =	sst s0  }
0x9: {  	[smem:$0x3FAF] =	sst s1  }
0xa: {  	[smem:$0x3FB0] =	sst s2  }
0xb: {  	[smem:$0x3FB1] =	sst s3  }
0xc: {  	[smem:$0x3FB2] =	sst s4  }
0xd: {  	[smem:$0x3FB3] =	sst s5  }
0xe: {  	[smem:$0x3FB4] =	sst s6  }
0xf: {  	[smem:$0x3FB5] =	sst s7  }
0x10: {  	[smem:$0x3FB6] =	sst s8  }
0x11: {  	[smem:$0x3FB7] =	sst s9;
	s0 =	simm.s32 @!p0 $0x0  }
0x12: {  	s1 =	sld [smem:$0x3F9D];
	s0 =	simm.s32 @p0 $0x1  }
0x13: {  	[smem:$0x3FB8] =	sst s0;
	s0 =	simm.s32 @!p1 $0x0  }
0x14: {  	s2 =	sld [smem:$0x3F9C];
	s0 =	simm.s32 @p1 $0x1  }
0x15: {  	[smem:$0x3FB9] =	sst s0;
	s0 =	simm.s32 @!p2 $0x0  }
0x16: {  	s3 =	sld [smem:$0x3FDB];
	s0 =	simm.s32 @p2 $0x1  }
0x17: {  	s4 =	simm.s32 $0x1BF5;
	[smem:$0x3FBB] =	sst s0  }
0x18: {  	s0 =	sld [smem:$0x3F9E];
	_ =	swait.ge [sflag:s4], $0x0  }
0x19: {  	s7 =	sld [smem:$0x3F9F]  }
0x1a: {  	s8 =	sadd.s32 $0xFFFFE003, lr  }
0x1b: {  	s9 =	sadd.s32 $0xFFFFFEF7, lr;
	s5 =	simm.s32 $0xFFFFFFFF;
	p2 =	slt.u32 s8, $0xFFFFF086  }
0x1c: {  	p1 =	slt.u32 s9, $0xF7A;
	s5 =	simm.s32 @!p2 $0x0  }
0x1d: {  	s5 =	simm.s32 @p1 $0x1;
	p0 =	seq.s32 s7, s2  }
0x1e: {  	s7 =	smul.u32 @!p0 $0xF7A, s2;
	p2 =	seq.s32 @!p0 s5, $0x0  }
0x1f: {  	s9 =	smul.u32 $0xF7A, s1;
	s8 =	simm.s32 @!p0 $0x1BF5;
	p2 =	por !p2, p0  }
0x20: {  	[sflag:s8] =	ssyncset.s32 @!p0 $0xFFFFF086;
	s6 =	sadd.s32 @!p0 s3, s7;
	s7 =	simm.s32 @!p0 $0x108  }
0x21: {  	s3 =	sadd.s32 s3, s9;
	s6 =	sadd.s32 @!p0 $0x88, s6;
	s7 =	simm.s32 @p2 $0x1082  }
0x22: {  	[simem:s7], [sflag:s8] =	dma.local @!p0 [hbm:s6], $0xF7A  }
0x23: {  	s9 =	sor.u32 $0xD0000000, s2;
	s6 =	simm.s32 $0x108;
	_ =	swait.ge @!p0 [sflag:s8], $0x0  }
0x24: {  	s3 =	sadd.s32 $0x88, s3;
	s6 =	simm.s32 @!p1 $0x1082;
	[sflag:s4] =	ssyncset.s32 $0xFFFFF086  }
0x25: {  	[simem:s6], [sflag:s4] =	dma.local [hbm:s3], $0xF7A  }
0x26: {  	[smem:$0x3F9F] =	sst s1;
	(tag) =	ssettag s2;
	_ =	strace s9  }
0x27: {  	s1 =	sld [smem:$0x3FAF]  }
0x28: {  	s2 =	sld [smem:$0x3FB0]  }
0x29: {  	s4 =	sld [smem:$0x3FB2]  }
0x2a: {  	p0 =	seq.s32 s5, $0x0;
	s5 =	sld [smem:$0x3FB3]  }
0x2b: {  	s6 =	sld [smem:$0x3FB4]  }
0x2c: {  	s7 =	sld [smem:$0x3FB5]  }
0x2d: {  	s3 =	simm.s32 $0x108;
	s8 =	sld [smem:$0x3FB6]  }
0x2e: {  	s3 =	simm.s32 @!p0 $0x1082;
	s9 =	sld [smem:$0x3FB7]  }
0x2f: {  	lr =	sadd.s32 s0, s3;
	s0 =	sld [smem:$0x3FAE]  }
0x30: {  	s3 =	sld [smem:$0x3FB1]  }
0x31: {  	[smem:$0x3FBA] =	sst s10  }
0x32: {  	s10 =	sld [smem:$0x3FB8];
	_ =	sdelay $0x3  }
0x33: {  	p0 =	seq.s32 s10, $0x1;
	s10 =	sld [smem:$0x3FBA];
	_ =	sdelay $0x3  }
0x34: {  	[smem:$0x3FBA] =	sst s10  }
0x35: {  	s10 =	sld [smem:$0x3FB9];
	_ =	sdelay $0x3  }
0x36: {  	p1 =	seq.s32 s10, $0x1;
	s10 =	sld [smem:$0x3FBA];
	_ =	sdelay $0x3  }
0x37: {  	[smem:$0x3FBA] =	sst s10  }
0x38: {  	s10 =	sld [smem:$0x3FBB]  }
0x39: {  	_ = 	snop;
	(pc) =	sbr.ind lr, $3  }
0x3a: {  	_ = 	snop  }
0x3b: {  	_ = 	snop  }
0x3c: {  	p2 =	seq.s32 s10, $0x1;
	s10 =	sld [smem:$0x3FBA]  }
0x3d: {  	_ =	shalt  }
0x3e: {  	_ =	shalt  }
0x3f: {  	_ =	shalt  }
0x40: {  	_ =	shalt  }
0x41: {  	_ =	shalt  }
0x42: {  	_ =	shalt  }
0x43: {  	_ =	shalt  }
0x44: {  	_ =	shalt  }
0x45: {  	_ =	shalt  }
0x46: {  	_ =	shalt  }
0x47: {  	_ =	shalt  }
0x48: {  	_ =	shalt  }
0x49: {  	_ =	shalt  }
0x4a: {  	_ =	shalt  }
0x4b: {  	_ =	shalt  }
0x4c: {  	_ =	shalt  }
0x4d: {  	_ =	shalt  }
0x4e: {  	_ =	shalt  }
0x4f: {  	_ =	shalt  }
0x50: {  	_ =	shalt  }
0x51: {  	_ =	shalt  }
0x52: {  	_ =	shalt  }
0x53: {  	_ =	shalt  }
0x54: {  	_ =	shalt  }
0x55: {  	_ =	shalt  }
0x56: {  	_ =	shalt  }
0x57: {  	_ =	shalt  }
0x58: {  	_ =	shalt  }
0x59: {  	_ =	shalt  }
0x5a: {  	_ =	shalt  }
0x5b: {  	_ =	shalt  }
0x5c: {  	_ =	shalt  }
0x5d: {  	_ =	shalt  }
0x5e: {  	_ =	shalt  }
0x5f: {  	_ =	shalt  }
0x60: {  	_ =	shalt  }
0x61: {  	_ =	shalt  }
0x62: {  	_ =	shalt  }
0x63: {  	_ =	shalt  }
0x64: {  	_ =	shalt  }
0x65: {  	_ =	shalt  }
0x66: {  	_ =	shalt  }
0x67: {  	_ =	shalt  }
0x68: {  	_ =	shalt  }
0x69: {  	_ =	shalt  }
0x6a: {  	_ =	shalt  }
0x6b: {  	_ =	shalt  }
0x6c: {  	_ =	shalt  }
0x6d: {  	_ =	shalt  }
0x6e: {  	_ =	shalt  }
0x6f: {  	_ =	shalt  }
0x70: {  	_ =	shalt  }
0x71: {  	_ =	shalt  }
0x72: {  	_ =	shalt  }
0x73: {  	_ =	shalt  }
0x74: {  	_ =	shalt  }
0x75: {  	_ =	shalt  }
0x76: {  	_ =	shalt  }
0x77: {  	_ =	shalt  }
0x78: {  	_ =	shalt  }
0x79: {  	_ =	shalt  }
0x7a: {  	_ =	shalt  }
0x7b: {  	_ =	shalt  }
0x7c: {  	_ =	shalt  }
0x7d: {  	_ =	shalt  }
0x7e: {  	_ =	shalt  }
0x7f: {  	_ =	shalt  }
0x80: {  	_ =	shalt  }
0x81: {  	_ =	shalt  }
0x82: {  	_ =	shalt  }
0x83: {  	_ =	shalt  }
0x84: {  	_ =	shalt  }
0x85: {  	_ =	shalt  }
0x86: {  	_ =	shalt  }
0x87: {  	_ =	shalt  }
.Lfunc_end0:
.L_simem_size_0:
called_computation_lowered:
.L_overlay_start_0:
0x88: {  	s2 =	sld [smem:$0x3FD9]  }
0x89: {  	s3 =	sld [smem:$0x3FFE];
	_ =	sdelay $0x1  }
0x8a: {  	s1 =	srdreg.scid  }
0x8b: {  	s0 =	sand.u32 $0x1, s1  }
0x8c: {  	s17 =	sshll.u32 s0, $0xA;
	s2 =	sadd.s32 s3, s2  }
0x8d: {  	s2 =	sadd.s32 s2, s17  }
0x8e: {  	[smem:$0x3FC6] =	sst s2  }
0x8f: {  	_ = 	snop  }
0x90: {  	s2 =	sld [smem:$0x3FD0];
	(tm) =	ssettm $0x1  }
0x91: {  	s18 =	sld [smem:$0x3FFB];
	_ =	sdelay $0x3  }
0x92: {  	_ =	strace s18  }
0x93: {  	s3 =	sld [smem:$0x3FFC];
	_ =	sdelay $0x3  }
0x94: {  	_ =	strace s3  }
0x95: {  	s3 =	sld [smem:$0x3FFD];
	_ =	sdelay $0x3  }
0x96: {  	_ =	strace s3  }
0x97: {  	_ =	strace $0x8FFFFFFF  }
0x98: {  	s19 =	sld [smem:$0x3FDB];
	_ =	sdelay $0x1  }
0x99: {  	s4 =	simm.s32 $_scs_section_size  }
0x9a: {  	s5 =	simm.s32 $_size__tile_overlayer_lowered;
	s6 =	simm.s32 $_tile_overlayer_lowered  }
0x9b: {  	s22 =	simm.s32 $0x1BFF;
	s21 =	sshll.u32 s6, $0x1;
	s3 =	sadd.s32 s4, s19  }
0x9c: {  	s7 =	simm.s32 $0x0;
	s20 =	sshll.u32 s5, $0x1;
	s5 =	sadd.s32 s21, s3  }
0x9d: {  	[timem:s7], [sflag:s22] =	dma.local [hbm:s5], s20  }
0x9e: {  	_ =	swait.ge [sflag:s22], s20  }
0x9f: {  	s4 =	ssub.s32 $0x0, s20;
	[sflag:s22] =	ssyncset.done $0x0  }
0xa0: {  	[sflag:s22] =	ssyncadd.s32 s4;
	_ =	sdelay $0x1  }
0xa1: {  	s23 =	simm.s32 $0x1B8B  }
0xa2: {  	_ =	swait.ge [sflag:s23], $0x1  }
0xa3: {  	[sflag:s23] =	ssyncset.done $0x0  }
0xa4: {  	s25 =	simm.s32 $0x1B8E;
	s24 =	sld [smem:$0x3FFE];
	[sflag:s23] =	ssyncadd.s32 $0xFFFFFFFF  }
0xa5: {  	s26 =	simm.s32 $execute0_lowered;
	[smem:$0x3FD2] =	sst s25  }
0xa6: {  	s5 =	sshll.u32 s26, $0x1;
	_ =	strace $0x80000046;
	[dreg:$0x1] =	wrdreg $0xFFFFFFFF  }
0xa7: {  	s28 =	simm.s32 $_size_execute0_lowered;
	s3 =	sadd.s32 s3, s5;
	[dreg:$0x0] =	wrdreg $0x0  }
0xa8: {  	s5 =	sshll.u32 s28, $0x1;
	[dreg:$0x2] =	wrdreg s3  }
0xa9: {  	[dreg:$0x3] =	wrdreg s5  }
0xaa: {  	[dreg:$0x4] =	wrdreg $0xC0  }
0xab: {  	_ =	task [dreg:s7], $0x5FFFF  }
0xac: {  	[dreg:$0x1] =	wrdreg $0xFFFFFFFF  }
0xad: {  	[dreg:$0x0] =	wrdreg $0x60  }
0xae: {  	[dreg:$0x2] =	wrdreg s2  }
0xaf: {  	[dreg:$0x3] =	wrdreg s24  }
0xb0: {  	[dreg:$0x4] =	wrdreg $0x1000  }
0xb1: {  	[dreg:$0x5] =	wrdreg $0x9  }
0xb2: {  	_ =	task.clear_ibuf [dreg:s7], $0x6FFFF;
	_ =	strace $0x90000046  }
0xb3: {  	s29 =	simm.s32 $0x9;
	_ =	strace $0x80000048  }
0xb4: {  	_ =	swait.ge [sflag:s29], $0x1  }
0xb5: {  	[sflag:s29] =	ssyncadd.s32 $0xFFFFFFFF  }
0xb6: {  	_ =	strace $0x90000048  }
0xb7: {  	_ =	sfence  }
0xb8: {  	s30 =	sld [smem:$0x0];
	_ =	sdelay $0x2  }
0xb9: {  	s31 =	sshll.u32 s1, $0xD;
	s1 =	sshrl.u32 s1, $0x2  }
0xba: {  	s3 =	sand.u32 $0x4000, s31;
	s1 =	sadd.s32 s1, s30  }
0xbb: {  	s0 =	sor.u32 s3, s0;
	s1 =	sshll.u32 s1, $0x11  }
0xbc: {  	s0 =	sor.u32 s1, s0  }
0xbd: {  	s0 =	sadd.s32 $0x8F2B, s0  }
0xbe: {  	[sflag:s0] =	ssyncadd.remote.s32 $0x1  }
0xbf: {  	_ =	sfence.sel $0xFFFF  }
0xc0: {  	[dreg:$0x0] =	wrdreg $0xFFFFFFFF;
	(pc) =	sbr.abs _section_cstart, $3  }
0xc1: {  	[dreg:$0x1] =	wrdreg $0xFFFFFFFF  }
0xc2: {  	_ =	task.clear_ibuf [dreg:s7], $0x2FFFF;
	_ =	strace $0x9FFFFFFF  }
0xc3: {  	(tm) =	ssettm $0x7FFFFFFF  }
tec
execute0_lowered:
.L_overlay_start_1:
0x0: {  	(tag) =	ssettag $0x1  }
0x1: {  	s10 =	rddreg [dreg:$0x0]  }
0x2: {  	s1 =	srdreg.scid;
	s3 =	rddreg [dreg:$0x1]  }
0x3: {  	s0 =	stileid.u32;
	s5 =	rddreg [dreg:$0x2];
	s2 =	simm.s32 $0x0  }
0x4: {  	s4 =	sand.u32 $0x1, s1;
	s19 =	sshll.u32 s0, $0x1;
	s1 =	rddreg [dreg:$0x3]  }
0x5: {  	[smem:$0x7FF] =	sst s2;
	s8 =	smul.u32 $0x62000, s0;
	s13 =	sadd.s32 $0xA00, s3  }
0x6: {  	s14 =	smul.u32 $0x180, s0;
	s6 =	sor.u32 s4, s19;
	_ =	strace $0x80000047  }
0x7: {  	s11 =	ssub.s32 $0x2, s4;
	s21 =	smul.u32 $0xC0, s4;
	s19 =	simm.s32 $0x1  }
0x8: {  	s6 =	smul.u32 $0xC0, s6;
	s20 =	sshrl.u32 s11, $0x1;
	s8 =	sshrl.u32 s8, $0x2  }
0x9: {  	s11 =	ssub.s32 s11, s20;
	s16 =	sadd.s32 s8, s5;
	s22 =	sadd.s32 s21, s14  }
0xa: {  	s14 =	sshll.u32 s0, $0x6;
	s20 =	simm.s32 $0x2;
	s21 =	simm.s32 $0x3  }
0xb: {  	s7 =	sshrl.u32 s6, $0x3;
	s18 =	sadd.s32 $0xC400, s16;
	s6 =	sadd.s32 $0xB8, s6  }
0xc: {  	s23 =	sor.u32 $0x18, s22;
	s26 =	sor.u32 $0x10, s22;
	s30 =	sor.u32 $0x8, s22  }
0xd: {  	s17 =	sshrl.u32 s22, $0x3;
	s8 =	smax.u32 s11, $0x1;
	s12 =	smul.u32 $0x1880, s7  }
0xe: {  	s16 =	sshrl.u32 s16, $0x3;
	s9 =	sadd.s32 s7, s3;
	s7 =	smul.u32 $0xC400, s7  }
0xf: {  	s22 =	simm.s32 $0x4;
	s6 =	sshrl.u32 s6, $0x3;
	s17 =	smul.u32 $0x1880, s17  }
0x10: {  	s25 =	sshrl.u32 s23, $0x3;
	s29 =	sshrl.u32 s26, $0x3;
	s24 =	smul.u32 $0x1880, s6  }
0x11: {  	s18 =	sshrl.u32 s18, $0x3;
	s23 =	simm.s32 $0x0;
	s28 =	smul.u32 $0x1880, s25  }
0x12: {  	s3 =	sadd.s32 $0x600, s9;
	s15 =	smul.u32 $0x1880, s29;
	s7 =	sshrl.u32 s7, $0x3  }
0x13: {  	s4 =	sadd.s32 s10, s12;
	s12 =	sadd.s32 s13, s12;
	s7 =	sadd.s32 s10, s7  }
0x14: {  	s6 =	sadd.s32 $0x21B00, s12;
	s5 =	sadd.s32 $0x1880, s7;
	s7 =	sshrl.u32 s30, $0x3  }
0x15: {  	s9 =	sadd.s32 s28, s10;
	s10 =	sadd.s32 s15, s10;
	s31 =	smul.u32 $0x1880, s7  }
0x16: {  	s12 =	sadd.s32 s17, s13;
	s15 =	sor.u32 $0x1C01, s14;
	s17 =	sor.u32 $0x1C02, s14  }
0x17: {  	s7 =	sadd.s32 s13, s24;
	s11 =	sadd.s32 s31, s13;
	s13 =	simm.s32 $0x5  }
.LBB2_1:
0x18: {  	[tilespmem:s2], [sflag:$0x5] =	stream.linear.gather [hbm4b:s3+s2], $0xC0, $0x38;
	[tilespmem:$0x18900] =	vst v63  }
0x19: {  	_ =	swait.ge [sflag:s13], $0xC0  }
0x1a: {  	[sflag:s13] =	ssyncset.done $0x0  }
0x1b: {  	[sflag:s13] =	ssyncadd.s32 $0xFFFFFF40  }
0x1c: {  	[spmem:s16], [sflag:s15] =	dma.local [hbm:s4], $0x1880  }
0x1d: {  	[spmem:s18], [sflag:s17] =	dma.local [hbm:s5], $0x1880  }
0x1e: {  	_ =	swait.ge [sflag:s19], $0x1880  }
0x1f: {  	[sflag:s19] =	ssyncset.done $0x0  }
0x20: {  	s25 =	sadd.s32 $0x0, s12;
	s24 =	sor.u32 $0x1C03, s14;
	[sflag:s19] =	ssyncadd.s32 $0xFFFFE780  }
0x21: {  	[hbm:s25], [sflag:s24] =	dma.local [spmem:s16], $0x1880  }
0x22: {  	_ =	swait.ge [sflag:s20], $0x1880  }
0x23: {  	[sflag:s20] =	ssyncset.done $0x0  }
0x24: {  	s26 =	sadd.s32 $0x0, s11;
	s25 =	sor.u32 $0x1C04, s14;
	[sflag:s20] =	ssyncadd.s32 $0xFFFFE780  }
0x25: {  	[hbm:s26], [sflag:s25] =	dma.local [spmem:s18], $0x1880  }
0x26: {  	_ =	swait.ge [sflag:s21], $0x1880  }
0x27: {  	[sflag:s21] =	ssyncset.done $0x0  }
0x28: {  	s31 =	sadd.s32 $0x0, s10;
	[sflag:s21] =	ssyncadd.s32 $0xFFFFE780  }
0x29: {  	[spmem:s16], [sflag:s15] =	dma.local [hbm:s31], $0x1880  }
0x2a: {  	_ =	swait.ge [sflag:s22], $0x1880  }
0x2b: {  	[sflag:s22] =	ssyncset.done $0x0  }
0x2c: {  	s28 =	sadd.s32 $0x0, s9;
	s26 =	simm.s32 $0x3100;
	[sflag:s22] =	ssyncadd.s32 $0xFFFFE780  }
.LBB2_2:
0x2d: {  	[spmem:s18], [sflag:s17] =	dma.local [hbm:s28], $0x1880  }
0x2e: {  	s28 =	smov.u32 s26  }
0x2f: {  	p0 =	sne.s32 s26, $0x1EA00;
	s26 =	sadd.s32 $0x3100, s26;
	_ =	swait.ge [sflag:s19], $0x1880  }
0x30: {  	[sflag:s19] =	ssyncset.done $0x0  }
0x31: {  	s29 =	sadd.s32 s28, s12;
	[sflag:s19] =	ssyncadd.s32 $0xFFFFE780  }
0x32: {  	[hbm:s29], [sflag:s24] =	dma.local [spmem:s16], $0x1880  }
0x33: {  	_ =	swait.ge [sflag:s20], $0x1880  }
0x34: {  	[sflag:s20] =	ssyncset.done $0x0  }
0x35: {  	s29 =	sadd.s32 s28, s11;
	[sflag:s20] =	ssyncadd.s32 $0xFFFFE780  }
0x36: {  	[hbm:s29], [sflag:s25] =	dma.local [spmem:s18], $0x1880  }
0x37: {  	_ =	swait.ge [sflag:s21], $0x1880  }
0x38: {  	[sflag:s21] =	ssyncset.done $0x0  }
.Ltmp0:
0x39: {  	s29 =	sadd.s32 s28, s10;
	[sflag:s21] =	ssyncadd.s32 $0xFFFFE780;
	(pc) =	sbr.rel @p0 .LBB2_2-.Ltmp0, $4  }
0x3a: {  	[spmem:s16], [sflag:s15] =	dma.local [hbm:s29], $0x1880  }
0x3b: {  	_ =	swait.ge [sflag:s22], $0x1880  }
0x3c: {  	[sflag:s22] =	ssyncset.done $0x0  }
0x3d: {  	s28 =	sadd.s32 s28, s9;
	[sflag:s22] =	ssyncadd.s32 $0xFFFFE780  }
0x3e: {  	[spmem:s18], [sflag:s17] =	dma.local [hbm:s28], $0x1880  }
0x3f: {  	_ =	swait.ge [sflag:s19], $0x1880  }
0x40: {  	[sflag:s19] =	ssyncset.done $0x0  }
0x41: {  	[sflag:s19] =	ssyncadd.s32 $0xFFFFE780  }
0x42: {  	[hbm:s6], [sflag:s24] =	dma.local [spmem:s16], $0x1880  }
0x43: {  	_ =	swait.ge [sflag:s20], $0x1880  }
0x44: {  	[sflag:s20] =	ssyncset.done $0x0  }
0x45: {  	s23 =	sadd.s32 $0x1, s23;
	[sflag:s20] =	ssyncadd.s32 $0xFFFFE780  }
0x46: {  	[hbm:s7], [sflag:s25] =	dma.local [spmem:s18], $0x1880  }
0x47: {  	p0 =	sne.s32 s23, s8;
	_ =	swait.ge [sflag:s21], $0x1880  }
.Ltmp1:
0x48: {  	[sflag:s21] =	ssyncset.done $0x0;
	(pc) =	sbr.rel @p0 .LBB2_1-.Ltmp1, $4  }
0x49: {  	[sflag:s21] =	ssyncadd.s32 $0xFFFFE780  }
0x4a: {  	_ =	swait.ge [sflag:s22], $0x1880  }
0x4b: {  	[sflag:s22] =	ssyncset.done $0x0  }
0x4c: {  	[sflag:s22] =	ssyncadd.s32 $0xFFFFE780  }
0x4d: {  	_ =	sfence.sel $0x180000  }
0x4e: {  	[bflag:$0x0] =	sbarrier.arrive $0xFFFF  }
0x4f: {  	p0 =	sne.s32 s0, $0x0;
	_ =	strace $0x90000047  }
0x50: {  	s0 =	sadd.s32 @!p0 $0x100000, s1;
	[bflag:$0x2] =	sbarrier.arrive $0xFFFF  }
0x51: {  	[sflag:s0] =	ssyncadd.tile.s32 @!p0 $0x1;
	_ =	shalt  }
.Lfunc_end2:
_tile_overlayer_lowered:
.L_overlay_start_2:
0x52: {  	(tag) =	ssettag $0x2  }
0x53: {  	s0 =	rddreg [dreg:$0x0];
	s2 =	stileid.u32  }
0x54: {  	s1 =	rddreg [dreg:$0x1];
	p0 =	sne.s32 s2, $0x0  }
0x55: {  	s3 =	rddreg [dreg:$0x2];
	[bflag:$0x3] =	sbarrier.arrive $0xFFFF;
	s2 =	simm.s32 @!p0 $0x1C05  }
0x56: {  	[timem:s3], [sflag:s2] =	dma.local @!p0 [hbm:s0], s1  }
0x57: {  	s0 =	simm.s32 @!p0 $0x5  }
0x58: {  	_ =	swait.ge @!p0 [sflag:s0], s1  }
0x59: {  	s1 =	ssub.s32 @!p0 $0x0, s1;
	[sflag:s0] =	ssyncset.done @!p0 $0x0  }
0x5a: {  	[sflag:s0] =	ssyncadd.s32 @!p0 s1  }
0x5b: {  	[bflag:$0x3] =	sbarrier.arrive $0xFFFF  }
0x5c: {  	_ =	shalt  }

</sc_bundles>
